<compile_context>
chip_gen: v7x
topology: tpu7x:2x2x1
jax: 0.10.2.dev20260603
libtpu: 0.0.44.dev20260713+nightly
codegen_flags: <defaults>
</compile_context>

<pallas_src>
import jax
import jax.numpy as jnp
from jax.experimental import pallas as pl

_VOXEL_SIZE = 0.2
_MAX_SP = 256


def _hash_kernel(x_ref, y_ref, z_ref, out_ref):
    xi = x_ref[...].astype(jnp.int32)
    yi = y_ref[...].astype(jnp.int32)
    zi = z_ref[...].astype(jnp.int32)
    out_ref[...] = xi * 10000 + yi * 100 + zi


def _select_kernel(rel_ref, inv_ref, nu_ref, out_ref):
    nu = nu_ref[...]
    out_ref[...] = jnp.where(nu > _MAX_SP, rel_ref[...], inv_ref[...])


def kernel(coordinates):
    b, n, _ = coordinates.shape
    scaled = coordinates / _VOXEL_SIZE
    x = scaled[..., 0]
    y = scaled[..., 1]
    z = scaled[..., 2]
    ids = pl.pallas_call(
        _hash_kernel,
        out_shape=jax.ShapeDtypeStruct((b, n), jnp.int32),
    )(x, y, z)

    iota = jnp.broadcast_to(jnp.arange(n, dtype=jnp.int32), (b, n))
    sv, perm = jax.lax.sort([ids, iota], dimension=1, num_keys=1)

    is_new = jnp.concatenate(
        [jnp.ones((b, 1), jnp.int32),
         (sv[:, 1:] != sv[:, :-1]).astype(jnp.int32)],
        axis=1,
    )
    ranks = jnp.cumsum(is_new, axis=1) - 1
    n_unique = ranks[:, -1:] + 1

    bidx = jnp.arange(b, dtype=jnp.int32)[:, None]
    inverse = jnp.zeros((b, n), jnp.int32).at[bidx, perm].set(ranks)
    counts = jnp.zeros((b, n), jnp.int32).at[bidx, ranks].add(1)

    _, large = jax.lax.top_k(counts, _MAX_SP)
    mapping = jnp.full((b, n), -1, jnp.int32).at[bidx, large].set(
        jnp.broadcast_to(jnp.arange(_MAX_SP, dtype=jnp.int32), (b, _MAX_SP)))
    relabeled = jnp.take_along_axis(mapping, inverse, axis=1)

    labels = pl.pallas_call(
        _select_kernel,
        out_shape=jax.ShapeDtypeStruct((b, n), jnp.int32),
    )(relabeled, inverse, n_unique)
    return labels

# --- scband reference (transcript-rebuilt; emitter-appended) ---
"""Pipeline reference for scband-superpoint-generator-48679159333096 (READ-ONLY COPY).

The authoritative reference and input builder live on the scoring server;
editing this copy changes nothing except your own understanding.
"""

import jax, jax.numpy as jnp
import numpy as np

VOXEL_SIZE = 0.2
MAX_SUPERPOINTS = 256
B, N = 8, 100000


def setup_inputs(seed: int = 0) -> dict:
    key = jax.random.key(seed)
    coordinates = jax.random.normal(key, (B, N, 3), dtype=jnp.float32)
    return {"coordinates": coordinates}


def _per_batch(vids):
    n = vids.shape[0]
    unique_voxels, inverse = jnp.unique(vids, return_inverse=True, size=n)
    inverse = inverse.reshape(-1).astype(jnp.int32)
    counts = jnp.bincount(inverse, length=n)
    n_unique = jnp.sum(counts > 0)
    # argsort counts descending, take top max_superpoints voxel slots
    order = jnp.argsort(-counts)
    large_voxels = order[:MAX_SUPERPOINTS]
    mapping = jnp.full((n,), -1, dtype=jnp.int32)
    mapping = mapping.at[large_voxels].set(jnp.arange(MAX_SUPERPOINTS, dtype=jnp.int32))
    relabeled = mapping[inverse]
    labels = jnp.where(n_unique > MAX_SUPERPOINTS, relabeled, inverse)
    return labels


def reference(coordinates):
    # voxelize: float divide then truncate toward zero (matches torch .long())
    voxel_coords = (coordinates / VOXEL_SIZE).astype(jnp.int32)
    voxel_ids = (voxel_coords[..., 0] * 10000
                 + voxel_coords[..., 1] * 100
                 + voxel_coords[..., 2])
    batch_labels = [_per_batch(voxel_ids[b]) for b in range(voxel_ids.shape[0])]
    return jnp.stack(batch_labels)

if __name__ == "__main__":
    import jax
    _d = setup_inputs()
    print(jax.jit(kernel)(*tuple(_d.values())))

</pallas_src>

<mosaic_0001>
module attributes {stable_mosaic.version = 14 : i64} {
  func.func @_hash_kernel(%arg0: memref<8x100000xf32, #tpu.memory_space<vmem>>, %arg1: memref<8x100000xf32, #tpu.memory_space<vmem>>, %arg2: memref<8x100000xf32, #tpu.memory_space<vmem>>, %arg3: memref<8x100000xi32, #tpu.memory_space<vmem>>) attributes {dimension_semantics = [], scalar_prefetch = 0 : i64, scratch_operands = 0 : i64, tpu.core_type = #tpu.core_type<tc>} {
    %get3A = arith.constant 0 : index
    %get3A_0 = arith.constant 0 : index
    %get3A_1 = vector.load %arg0[%get3A, %get3A_0] : memref<8x100000xf32, #tpu.memory_space<vmem>>, vector<8x100000xf32>
    %convert_element_type3A = arith.fptosi %get3A_1 : vector<8x100000xf32> to vector<8x100000xi32>
    %get3A_2 = arith.constant 0 : index
    %get3A_3 = arith.constant 0 : index
    %get3A_4 = vector.load %arg1[%get3A_2, %get3A_3] : memref<8x100000xf32, #tpu.memory_space<vmem>>, vector<8x100000xf32>
    %convert_element_type3A_5 = arith.fptosi %get3A_4 : vector<8x100000xf32> to vector<8x100000xi32>
    %get3A_6 = arith.constant 0 : index
    %get3A_7 = arith.constant 0 : index
    %get3A_8 = vector.load %arg2[%get3A_6, %get3A_7] : memref<8x100000xf32, #tpu.memory_space<vmem>>, vector<8x100000xf32>
    %convert_element_type3A_9 = arith.fptosi %get3A_8 : vector<8x100000xf32> to vector<8x100000xi32>
    %mul3A = arith.constant 10000 : i32
    %mul3A_10 = vector.broadcast %mul3A : i32 to vector<8x100000xi32>
    %mul3A_11 = arith.muli %convert_element_type3A, %mul3A_10 : vector<8x100000xi32>
    %mul3A_12 = arith.constant 100 : i32
    %mul3A_13 = vector.broadcast %mul3A_12 : i32 to vector<8x100000xi32>
    %mul3A_14 = arith.muli %convert_element_type3A_5, %mul3A_13 : vector<8x100000xi32>
    %add3A = arith.addi %mul3A_11, %mul3A_14 : vector<8x100000xi32>
    %add3A_15 = arith.addi %add3A, %convert_element_type3A_9 : vector<8x100000xi32>
    %swap3A = arith.constant 0 : index
    %swap3A_16 = arith.constant 0 : index
    %swap3A_17 = vector.load %arg3[%swap3A, %swap3A_16] : memref<8x100000xi32, #tpu.memory_space<vmem>>, vector<8x100000xi32>
    tpu.vector_store %arg3[%swap3A, %swap3A_16], %add3A_15 {strides = array<i32>} : memref<8x100000xi32, #tpu.memory_space<vmem>>, vector<8x100000xi32>,
    return
  }
}

module attributes {stable_mosaic.version = 14 : i64} {
  func.func @_select_kernel(%arg0: memref<8x100000xi32, #tpu.memory_space<vmem>>, %arg1: memref<8x100000xi32, #tpu.memory_space<vmem>>, %arg2: memref<8x1xi32, #tpu.memory_space<vmem>>, %arg3: memref<8x100000xi32, #tpu.memory_space<vmem>>) attributes {dimension_semantics = [], scalar_prefetch = 0 : i64, scratch_operands = 0 : i64, tpu.core_type = #tpu.core_type<tc>} {
    %get3A = arith.constant 0 : index
    %get3A_0 = arith.constant 0 : index
    %get3A_1 = vector.load %arg2[%get3A, %get3A_0] : memref<8x1xi32, #tpu.memory_space<vmem>>, vector<8x1xi32>
    %gt3A = arith.constant 256 : i32
    %gt3A_2 = vector.broadcast %gt3A : i32 to vector<8x1xi32>
    %gt3A_3 = arith.cmpi sgt, %get3A_1, %gt3A_2 : vector<8x1xi32>
    %get3A_4 = arith.constant 0 : index
    %get3A_5 = arith.constant 0 : index
    %get3A_6 = vector.load %arg0[%get3A_4, %get3A_5] : memref<8x100000xi32, #tpu.memory_space<vmem>>, vector<8x100000xi32>
    %get3A_7 = arith.constant 0 : index
    %get3A_8 = arith.constant 0 : index
    %get3A_9 = vector.load %arg1[%get3A_7, %get3A_8] : memref<8x100000xi32, #tpu.memory_space<vmem>>, vector<8x100000xi32>
    %broadcast_in_dim3A = vector.shape_cast %gt3A_3 : vector<8x1xi1> to vector<8x1xi1>
    %broadcast_in_dim3A_10 = vector.broadcast %broadcast_in_dim3A : vector<8x1xi1> to vector<8x100000xi1>
    %select_n3A = arith.select %broadcast_in_dim3A_10, %get3A_6, %get3A_9 : vector<8x100000xi1>, vector<8x100000xi32>
    %swap3A = arith.constant 0 : index
    %swap3A_11 = arith.constant 0 : index
    %swap3A_12 = vector.load %arg3[%swap3A, %swap3A_11] : memref<8x100000xi32, #tpu.memory_space<vmem>>, vector<8x100000xi32>
    tpu.vector_store %arg3[%swap3A, %swap3A_11], %select_n3A {strides = array<i32>} : memref<8x100000xi32, #tpu.memory_space<vmem>>, vector<8x100000xi32>,
    return
  }
}

</mosaic_0001>

<sc_bundles>
// kernel: gather_offload_async_start
scs
__scs_entry_jumppad:
0x0: {  	(pc) =	sbr.rel $0x88, $3  }
0x1: {  	(tag) =	ssettag $0x0;
	lr =	simm.s32 $0x1  }
0x2: {  	[smem:$0x3FA0] =	sst lr;
	_ =	strace $0xD0000000  }
0x3: {  	_ = 	snop  }
0x4: {  	_ = 	snop  }
0x5: {  	_ = 	snop  }
0x6: {  	_ = 	snop  }
0x7: {  	_ = 	snop  }
__scs_overlays_trampoline_lowered:
0x8: {  	[smem:$0x3FAF] =	sst s0  }
0x9: {  	[smem:$0x3FB0] =	sst s1  }
0xa: {  	[smem:$0x3FB1] =	sst s2  }
0xb: {  	[smem:$0x3FB2] =	sst s3  }
0xc: {  	[smem:$0x3FB3] =	sst s4  }
0xd: {  	[smem:$0x3FB4] =	sst s5  }
0xe: {  	[smem:$0x3FB5] =	sst s6  }
0xf: {  	[smem:$0x3FB6] =	sst s7  }
0x10: {  	[smem:$0x3FB7] =	sst s8  }
0x11: {  	[smem:$0x3FB8] =	sst s9;
	s0 =	simm.s32 @!p0 $0x0  }
0x12: {  	s1 =	sld [smem:$0x3F9E];
	s0 =	simm.s32 @p0 $0x1  }
0x13: {  	[smem:$0x3FB9] =	sst s0;
	s0 =	simm.s32 @!p1 $0x0  }
0x14: {  	s2 =	sld [smem:$0x3F9D];
	s0 =	simm.s32 @p1 $0x1  }
0x15: {  	[smem:$0x3FBA] =	sst s0;
	s0 =	simm.s32 @!p2 $0x0  }
0x16: {  	s3 =	sld [smem:$0x3FDB];
	s0 =	simm.s32 @p2 $0x1  }
0x17: {  	s4 =	simm.s32 $0x1BF5;
	[smem:$0x3FBC] =	sst s0  }
0x18: {  	s0 =	sld [smem:$0x3F9F];
	_ =	swait.ge [sflag:s4], $0x0  }
0x19: {  	s7 =	sld [smem:$0x3FA0]  }
0x1a: {  	s8 =	sadd.s32 $0xFFFFE003, lr  }
0x1b: {  	s9 =	sadd.s32 $0xFFFFFEF7, lr;
	s5 =	simm.s32 $0xFFFFFFFF;
	p2 =	slt.u32 s8, $0xFFFFF086  }
0x1c: {  	p1 =	slt.u32 s9, $0xF7A;
	s5 =	simm.s32 @!p2 $0x0  }
0x1d: {  	s5 =	simm.s32 @p1 $0x1;
	p0 =	seq.s32 s7, s2  }
0x1e: {  	s7 =	smul.u32 @!p0 $0xF7A, s2;
	p2 =	seq.s32 @!p0 s5, $0x0  }
0x1f: {  	s9 =	smul.u32 $0xF7A, s1;
	s8 =	simm.s32 @!p0 $0x1BF5;
	p2 =	por !p2, p0  }
0x20: {  	[sflag:s8] =	ssyncset.s32 @!p0 $0xFFFFF086;
	s6 =	sadd.s32 @!p0 s3, s7;
	s7 =	simm.s32 @!p0 $0x108  }
0x21: {  	s3 =	sadd.s32 s3, s9;
	s6 =	sadd.s32 @!p0 $0x88, s6;
	s7 =	simm.s32 @p2 $0x1082  }
0x22: {  	[simem:s7], [sflag:s8] =	dma.local @!p0 [hbm:s6], $0xF7A  }
0x23: {  	s9 =	sor.u32 $0xD0000000, s2;
	s6 =	simm.s32 $0x108;
	_ =	swait.ge @!p0 [sflag:s8], $0x0  }
0x24: {  	s3 =	sadd.s32 $0x88, s3;
	s6 =	simm.s32 @!p1 $0x1082;
	[sflag:s4] =	ssyncset.s32 $0xFFFFF086  }
0x25: {  	[simem:s6], [sflag:s4] =	dma.local [hbm:s3], $0xF7A  }
0x26: {  	[smem:$0x3FA0] =	sst s1;
	(tag) =	ssettag s2;
	_ =	strace s9  }
0x27: {  	s1 =	sld [smem:$0x3FB0]  }
0x28: {  	s2 =	sld [smem:$0x3FB1]  }
0x29: {  	s4 =	sld [smem:$0x3FB3]  }
0x2a: {  	p0 =	seq.s32 s5, $0x0;
	s5 =	sld [smem:$0x3FB4]  }
0x2b: {  	s6 =	sld [smem:$0x3FB5]  }
0x2c: {  	s7 =	sld [smem:$0x3FB6]  }
0x2d: {  	s3 =	simm.s32 $0x108;
	s8 =	sld [smem:$0x3FB7]  }
0x2e: {  	s3 =	simm.s32 @!p0 $0x1082;
	s9 =	sld [smem:$0x3FB8]  }
0x2f: {  	lr =	sadd.s32 s0, s3;
	s0 =	sld [smem:$0x3FAF]  }
0x30: {  	s3 =	sld [smem:$0x3FB2]  }
0x31: {  	[smem:$0x3FBB] =	sst s10  }
0x32: {  	s10 =	sld [smem:$0x3FB9];
	_ =	sdelay $0x3  }
0x33: {  	p0 =	seq.s32 s10, $0x1;
	s10 =	sld [smem:$0x3FBB];
	_ =	sdelay $0x3  }
0x34: {  	[smem:$0x3FBB] =	sst s10  }
0x35: {  	s10 =	sld [smem:$0x3FBA];
	_ =	sdelay $0x3  }
0x36: {  	p1 =	seq.s32 s10, $0x1;
	s10 =	sld [smem:$0x3FBB];
	_ =	sdelay $0x3  }
0x37: {  	[smem:$0x3FBB] =	sst s10  }
0x38: {  	s10 =	sld [smem:$0x3FBC]  }
0x39: {  	_ = 	snop;
	(pc) =	sbr.ind lr, $3  }
0x3a: {  	_ = 	snop  }
0x3b: {  	_ = 	snop  }
0x3c: {  	p2 =	seq.s32 s10, $0x1;
	s10 =	sld [smem:$0x3FBB]  }
0x3d: {  	_ =	shalt  }
0x3e: {  	_ =	shalt  }
0x3f: {  	_ =	shalt  }
0x40: {  	_ =	shalt  }
0x41: {  	_ =	shalt  }
0x42: {  	_ =	shalt  }
0x43: {  	_ =	shalt  }
0x44: {  	_ =	shalt  }
0x45: {  	_ =	shalt  }
0x46: {  	_ =	shalt  }
0x47: {  	_ =	shalt  }
0x48: {  	_ =	shalt  }
0x49: {  	_ =	shalt  }
0x4a: {  	_ =	shalt  }
0x4b: {  	_ =	shalt  }
0x4c: {  	_ =	shalt  }
0x4d: {  	_ =	shalt  }
0x4e: {  	_ =	shalt  }
0x4f: {  	_ =	shalt  }
0x50: {  	_ =	shalt  }
0x51: {  	_ =	shalt  }
0x52: {  	_ =	shalt  }
0x53: {  	_ =	shalt  }
0x54: {  	_ =	shalt  }
0x55: {  	_ =	shalt  }
0x56: {  	_ =	shalt  }
0x57: {  	_ =	shalt  }
0x58: {  	_ =	shalt  }
0x59: {  	_ =	shalt  }
0x5a: {  	_ =	shalt  }
0x5b: {  	_ =	shalt  }
0x5c: {  	_ =	shalt  }
0x5d: {  	_ =	shalt  }
0x5e: {  	_ =	shalt  }
0x5f: {  	_ =	shalt  }
0x60: {  	_ =	shalt  }
0x61: {  	_ =	shalt  }
0x62: {  	_ =	shalt  }
0x63: {  	_ =	shalt  }
0x64: {  	_ =	shalt  }
0x65: {  	_ =	shalt  }
0x66: {  	_ =	shalt  }
0x67: {  	_ =	shalt  }
0x68: {  	_ =	shalt  }
0x69: {  	_ =	shalt  }
0x6a: {  	_ =	shalt  }
0x6b: {  	_ =	shalt  }
0x6c: {  	_ =	shalt  }
0x6d: {  	_ =	shalt  }
0x6e: {  	_ =	shalt  }
0x6f: {  	_ =	shalt  }
0x70: {  	_ =	shalt  }
0x71: {  	_ =	shalt  }
0x72: {  	_ =	shalt  }
0x73: {  	_ =	shalt  }
0x74: {  	_ =	shalt  }
0x75: {  	_ =	shalt  }
0x76: {  	_ =	shalt  }
0x77: {  	_ =	shalt  }
0x78: {  	_ =	shalt  }
0x79: {  	_ =	shalt  }
0x7a: {  	_ =	shalt  }
0x7b: {  	_ =	shalt  }
0x7c: {  	_ =	shalt  }
0x7d: {  	_ =	shalt  }
0x7e: {  	_ =	shalt  }
0x7f: {  	_ =	shalt  }
0x80: {  	_ =	shalt  }
0x81: {  	_ =	shalt  }
0x82: {  	_ =	shalt  }
0x83: {  	_ =	shalt  }
0x84: {  	_ =	shalt  }
0x85: {  	_ =	shalt  }
0x86: {  	_ =	shalt  }
0x87: {  	_ =	shalt  }
.Lfunc_end0:
.L_simem_size_0:
called_computation.1_lowered:
.L_overlay_start_0:
0x88: {  	s2 =	sld [smem:$0x3FD9]  }
0x89: {  	s3 =	sld [smem:$0x3FFE];
	_ =	sdelay $0x1  }
0x8a: {  	s1 =	srdreg.scid  }
0x8b: {  	s0 =	sand.u32 $0x1, s1  }
0x8c: {  	s17 =	sshll.u32 s0, $0xA;
	s2 =	sadd.s32 s3, s2  }
0x8d: {  	s2 =	sadd.s32 s2, s17  }
0x8e: {  	[smem:$0x3FC7] =	sst s2  }
0x8f: {  	_ = 	snop  }
0x90: {  	s2 =	sld [smem:$0x3FD0];
	(tm) =	ssettm $0x1  }
0x91: {  	s18 =	sld [smem:$0x3FFB];
	_ =	sdelay $0x3  }
0x92: {  	_ =	strace s18  }
0x93: {  	s3 =	sld [smem:$0x3FFC];
	_ =	sdelay $0x3  }
0x94: {  	_ =	strace s3  }
0x95: {  	s3 =	sld [smem:$0x3FFD];
	_ =	sdelay $0x3  }
0x96: {  	_ =	strace s3  }
0x97: {  	_ =	strace $0x8FFFFFFF  }
0x98: {  	s19 =	sld [smem:$0x3FDB];
	_ =	sdelay $0x1  }
0x99: {  	s4 =	simm.s32 $_scs_section_size  }
0x9a: {  	s5 =	simm.s32 $_size__tile_overlayer_lowered;
	s6 =	simm.s32 $_tile_overlayer_lowered  }
0x9b: {  	s22 =	simm.s32 $0x1BFF;
	s21 =	sshll.u32 s6, $0x1;
	s3 =	sadd.s32 s4, s19  }
0x9c: {  	s7 =	simm.s32 $0x0;
	s20 =	sshll.u32 s5, $0x1;
	s5 =	sadd.s32 s21, s3  }
0x9d: {  	[timem:s7], [sflag:s22] =	dma.local [hbm:s5], s20  }
0x9e: {  	_ =	swait.ge [sflag:s22], s20  }
0x9f: {  	s4 =	ssub.s32 $0x0, s20;
	[sflag:s22] =	ssyncset.done $0x0  }
0xa0: {  	[sflag:s22] =	ssyncadd.s32 s4;
	_ =	sdelay $0x1  }
0xa1: {  	s23 =	simm.s32 $0x1B8B  }
0xa2: {  	_ =	swait.ge [sflag:s23], $0x1  }
0xa3: {  	[sflag:s23] =	ssyncset.done $0x0  }
0xa4: {  	s25 =	simm.s32 $0x1B8E;
	s24 =	sld [smem:$0x3FFE];
	[sflag:s23] =	ssyncadd.s32 $0xFFFFFFFF  }
0xa5: {  	s26 =	simm.s32 $execute0_lowered;
	[smem:$0x3FD2] =	sst s25  }
0xa6: {  	s5 =	sshll.u32 s26, $0x1;
	_ =	strace $0x80000049;
	[dreg:$0x1] =	wrdreg $0xFFFFFFFF  }
0xa7: {  	s28 =	simm.s32 $_size_execute0_lowered;
	s3 =	sadd.s32 s3, s5;
	[dreg:$0x0] =	wrdreg $0x0  }
0xa8: {  	s5 =	sshll.u32 s28, $0x1;
	[dreg:$0x2] =	wrdreg s3  }
0xa9: {  	[dreg:$0x3] =	wrdreg s5  }
0xaa: {  	[dreg:$0x4] =	wrdreg $0xC0  }
0xab: {  	_ =	task [dreg:s7], $0x5FFFF  }
0xac: {  	[dreg:$0x1] =	wrdreg $0xFFFFFFFF  }
0xad: {  	[dreg:$0x0] =	wrdreg $0x60  }
0xae: {  	[dreg:$0x2] =	wrdreg s2  }
0xaf: {  	[dreg:$0x3] =	wrdreg s24  }
0xb0: {  	[dreg:$0x4] =	wrdreg $0x9  }
0xb1: {  	_ =	task.clear_ibuf [dreg:s7], $0x5FFFF;
	_ =	strace $0x90000049  }
0xb2: {  	s29 =	simm.s32 $0x9;
	_ =	strace $0x8000004B  }
0xb3: {  	_ =	swait.ge [sflag:s29], $0x1  }
0xb4: {  	[sflag:s29] =	ssyncadd.s32 $0xFFFFFFFF  }
0xb5: {  	_ =	strace $0x9000004B  }
0xb6: {  	_ =	sfence  }
0xb7: {  	s30 =	sld [smem:$0x0];
	_ =	sdelay $0x2  }
0xb8: {  	s31 =	sshll.u32 s1, $0xD;
	s1 =	sshrl.u32 s1, $0x2  }
0xb9: {  	s3 =	sand.u32 $0x4000, s31;
	s1 =	sadd.s32 s1, s30  }
0xba: {  	s0 =	sor.u32 s3, s0;
	s1 =	sshll.u32 s1, $0x11  }
0xbb: {  	s0 =	sor.u32 s1, s0  }
0xbc: {  	s0 =	sadd.s32 $0x8F2B, s0  }
0xbd: {  	[sflag:s0] =	ssyncadd.remote.s32 $0x1  }
0xbe: {  	_ =	sfence.sel $0xFFFF  }
0xbf: {  	[dreg:$0x0] =	wrdreg $0xFFFFFFFF;
	(pc) =	sbr.abs _section_cstart, $3  }
0xc0: {  	[dreg:$0x1] =	wrdreg $0xFFFFFFFF  }
0xc1: {  	_ =	task.clear_ibuf [dreg:s7], $0x2FFFF;
	_ =	strace $0x9FFFFFFF  }
0xc2: {  	(tm) =	ssettm $0x7FFFFFFF  }
0xc3: {  	_ =	shalt  }
tec
execute0_lowered:
.L_overlay_start_1:
0x0: {  	(tag) =	ssettag $0x1  }
0x1: {  	s2 =	rddreg [dreg:$0x0];
	s0 =	stileid.u32  }
0x2: {  	s1 =	srdreg.scid;
	s8 =	rddreg [dreg:$0x1]  }
0x3: {  	s5 =	simm.s32 $0x1;
	s9 =	simm.s32 $0x1;
	s10 =	simm.s32 $0x3  }
0x4: {  	s13 =	simm.s32 $0x0;
	s3 =	sand.u32 $0x1, s1;
	s4 =	sshll.u32 s0, $0x1  }
0x5: {  	s12 =	simm.s32 $0x0;
	s1 =	rddreg [dreg:$0x2];
	s6 =	sor.u32 s4, s3  }
0x6: {  	_ =	strace $0x8000004A;
	s3 =	sadd.s32 $0x18C00, s8;
	s4 =	smul.u32 $0x4E20, s6  }
0x7: {  	[sflag:s5] =	ssyncpa.u1 $0x0;
	p0 =	slt.u32 s6, $0x9;
	s6 =	simm.s32 $0x9C400  }
.Ltmp0:
0x8: {  	s6 =	simm.s32 @!p0 $0x0;
	s7 =	ssub.s32 $0xC3500, s4;
	(pc) =	sbr.rel .LBB2_1-.Ltmp0, $4  }
0x9: {  	s9 =	simm.s32 @!p0 $0x0;
	p0 =	sne.s32 s7, s6;
	s7 =	simm.s32 $0x1  }
0xa: {  	s8 =	sadd.s32 $0x31400, s8;
	s6 =	simm.s32 $0x2;
	s7 =	simm.s32 @!p0 $0x0  }
0xb: {  	s11 =	smov.u32 s4;
	[sflag:s6] =	ssyncpa.u1 $0x0;
	s7 =	sadd.s32 s9, s7  }
0xc: {  	vm0 =	vmmov $0xffff;
	[sflag:s10] =	ssyncpa.u1 $0x0;
	s10 =	simm.s32 $0x0;
	s9 =	sadd.s32 $0x1, s7  }
.LBB2_4:
0xd: {  	vm1 =	veq.s32 v4, $0x80000000;
	v56 =	vand.u32 $0x7, v4;
	v6 =	vand.u32 $0x1FFFF, v6  }
0xe: {  	v2 =	vor.u32 v2, v5;
	v59 =	vshrl.u32 v1, $0x3;
	v60 =	vand.u32 $0x7, v1  }
0xf: {  	v4 =	vsel vm1, $0xFFFFFFFF, v56;
	v6 =	vsel vm1, $0xFFFFFFFF, v6;
	v2 =	vor.u32 v3, v2  }
0x10: {  	vm1 =	veq.s32 v1, $0x80000000;
	v5 =	vand.u32 $0x1FFFF, v59;
	v7 =	vshrl.u32 v4, $0x3  }
0x11: {  	v57 =	vshll.u32 v6, $0x3;
	v4 =	vshll.u32 v4, $0x7;
	v1 =	vsel vm1, $0xFFFFFFFF, v60  }
0x12: {  	v5 =	vsel vm1, $0xFFFFFFFF, v5;
	v6 =	vand.u32 $0x7F, v6;
	v7 =	vmul.u32 $0xC3800, v7  }
0x13: {  	v58 =	vand.u32 $0xFFFFFC00, v57;
	v4 =	vand.u32 $0x380, v4;
	v61 =	vshrl.u32 v1, $0x3  }
0x14: {  	v62 =	vshll.u32 v5, $0x3;
	v3 =	vadd.s32 v7, v58;
	v7 =	vmul.u32 $0xC3800, v61  }
0x15: {  	v1 =	vshll.u32 v1, $0x7;
	v3 =	vor.u32 v4, v3;
	v4 =	vand.u32 $0xFFFFFC00, v62  }
0x16: {  	v1 =	vand.u32 $0x380, v1;
	v3 =	vor.u32 v6, v3;
	v4 =	vadd.s32 v7, v4  }
0x17: {  	[tilespmem:s16], [sflag:$0x1] =	stream.indirect_vreg.gather [hbm4b:s2+s10], $0x1, v0, vm0, $0x4038;
	v63 =	vand.u32 $0x7F, v5;
	v1 =	vor.u32 v1, v4;
	[tilespmem:$0x13880] =	vst v63  }
0x18: {  	s15 =	sadd.s32 $0x10, s15;
	(ifvalue) =	ssetifvalue $0x7FFFFFFF;
	v0 =	vor.u32 v63, v1  }
0x19: {  	[tilespmem:s15], [sflag:$0x1] =	stream.indirect_vreg.gather [hbm4b:s2+s10], $0x1, v2, vm0, $0x4038;
	[tilespmem:$0x13880] =	vst v63  }
0x1a: {  	s15 =	sadd.s32 $0x10, s15;
	(ifvalue) =	ssetifvalue $0x7FFFFFFF  }
0x1b: {  	[tilespmem:s15], [sflag:$0x1] =	stream.indirect_vreg.gather [hbm4b:s2+s10], $0x1, v3, vm0, $0x4038;
	[tilespmem:$0x13880] =	vst v63  }
0x1c: {  	s15 =	sadd.s32 $0x10, s15;
	(ifvalue) =	ssetifvalue $0x7FFFFFFF  }
0x1d: {  	[tilespmem:s15], [sflag:$0x1] =	stream.indirect_vreg.gather [hbm4b:s2+s10], $0x1, v0, vm0, $0x4038;
	[tilespmem:$0x13880] =	vst v63  }
0x1e: {  	_ =	swait.ge [sflag:s5], $0x4E20  }
0x1f: {  	s30 =	sshrl.u32 s13, $0x3;
	[sflag:s5] =	ssyncset.done $0x0  }
0x20: {  	s31 =	sand.u32 $0x7, s13;
	s15 =	sadd.s32 s8, s30;
	[sflag:s5] =	ssyncadd.s32 $0xFFFFB1E0  }
0x21: {  	[hbm4b:s15+s31] =	stream.linear.scatter [tilespmem:s14], [sflag:$0x3], $0x4E20, $0x38;
	[tilespmem:$0x13880] =	vst v63  }
.LBB2_5:
0x22: {  	s15 =	sadd.s32 $0x9C400, s11  }
0x23: {  	p1 =	sgt.s32 s15, $0xC34FF  }
0x24: {  	s15 =	smov.u32 @p1 s4;
	p1 =	sne.s32 s12, s9  }
.Ltmp1:
0x25: {  	p0 =	slt.u32 s12, $0x2;
	(pc) =	sbr.rel @!p1 .LBB2_6-.Ltmp1, $4  }
0x26: {  	s14 =	simm.s32 @!p0 $0x3  }
0x27: {  	_ =	swait.ge @!p0 [sflag:s14], $0x4E20  }
0x28: {  	s16 =	sadd.s32 $0x1, s12;
	s13 =	smov.u32 s11;
	[sflag:s14] =	ssyncset.done @!p0 $0x0  }
0x29: {  	s12 =	smov.u32 s16;
	s11 =	smov.u32 s15;
	[sflag:s14] =	ssyncadd.s32 @!p0 $0xFFFFB1E0  }
.LBB2_1:
0x2a: {  	p0 =	sge.u32 s12, s7  }
0x2b: {  	s14 =	sxor.u32 @!p0 $0x1, s12  }
0x2c: {  	s14 =	smul.u32 @!p0 $0x13880, s14  }
0x2d: {  	s31 =	sadd.s32 $0xFFFFFFFF, s12;
	s15 =	sshrl.u32 @!p0 s11, $0x3  }
0x2e: {  	s16 =	sand.u32 @!p0 $0x7, s11;
	s15 =	sadd.s32 @!p0 s3, s15;
	s14 =	sshra.s32 @!p0 s14, $0x2  }
0x2f: {  	[tilespmem:s14], [sflag:$0x2] =	stream.linear.gather @!p0 [hbm4b:s15+s16], $0x4E20, $0x38;
	[tilespmem:$0x13880] =	vst v63  }
0x30: {  	p0 =	sge.u32 s31, s7  }
.Ltmp2:
0x31: {  	_ = 	snop;
	(pc) =	sbr.rel @p0 .LBB2_5-.Ltmp2, $1  }
0x32: {  	_ =	sdelay $0x3  }
0x33: {  	s14 =	sand.u32 $0x1, s12  }
0x34: {  	_ =	swait.ge [sflag:s6], $0x4E20;
	p0 =	seq.s32 s14, $0x1;
	s14 =	simm.s32 $0x4E20  }
0x35: {  	[sflag:s6] =	ssyncset.done $0x0;
	s14 =	simm.s32 @!p0 $0x0  }
0x36: {  	[sflag:s6] =	ssyncadd.s32 $0xFFFFB1E0;
	(ifvalue) =	ssetifvalue $0x7FFFFFFF;
	v0 =	vld.msk [tilespmem:s14+$0x0 ss:$0x1], $0xffff  }
0x37: {  	s15 =	sadd.s32 $0x10, s14  }
0x38: {  	v1 =	vld.msk [tilespmem:s15+$0x0 ss:$0x1], $0xffff;
	_ =	sdelay $0x2  }
0x39: {  	v2 =	vshrl.u32 v0, $0x3  }
0x3a: {  	vm1 =	veq.s32 v0, $0x80000000;
	v0 =	vand.u32 $0x7, v0;
	v2 =	vand.u32 $0x1FFFF, v2  }
0x3b: {  	v0 =	vsel vm1, $0xFFFFFFFF, v0;
	v6 =	vshrl.u32 v1, $0x3;
	v2 =	vsel vm1, $0xFFFFFFFF, v2  }
0x3c: {  	v3 =	vshrl.u32 v0, $0x3;
	v0 =	vshll.u32 v0, $0x7;
	vm1 =	veq.s32 v1, $0x80000000  }
0x3d: {  	s15 =	sadd.s32 $0x10, s15;
	v1 =	vand.u32 $0x7, v1;
	v4 =	vshll.u32 v2, $0x3;
	v3 =	vmul.u32 $0xC3800, v3  }
0x3e: {  	v0 =	vand.u32 $0x380, v0;
	v7 =	vand.u32 $0x7F, v2;
	v5 =	vand.u32 $0xFFFFFC00, v4;
	v4 =	vld.msk [tilespmem:s15+$0x0 ss:$0x1], $0xffff  }
0x3f: {  	v1 =	vsel vm1, $0xFFFFFFFF, v1;
	v2 =	vadd.s32 v3, v5;
	v3 =	vand.u32 $0x1FFFF, v6  }
0x40: {  	v3 =	vsel vm1, $0xFFFFFFFF, v3;
	v0 =	vor.u32 v0, v2;
	v2 =	vshrl.u32 v1, $0x3  }
0x41: {  	v1 =	vshll.u32 v1, $0x7;
	v5 =	vshll.u32 v3, $0x3;
	v8 =	vmul.u32 $0xC3800, v2  }
0x42: {  	s18 =	simm.s32 $0x30;
	s14 =	sadd.s32 $0x9C40, s14;
	s17 =	sadd.s32 $0x10, s15;
	v2 =	vand.u32 $0x380, v1;
	v0 =	vor.u32 v7, v0;
	v5 =	vand.u32 $0xFFFFFC00, v5  }
0x43: {  	s16 =	smov.u32 s14;
	s15 =	smov.u32 s14;
	v1 =	vld.msk [tilespmem:s17+$0x0 ss:$0x1], $0xffff;
	v3 =	vand.u32 $0x7F, v3;
	(ifvalue) =	ssetifvalue $0x7FFFFFFF;
	v6 =	vshrl.u32 v4, $0x3;
	v5 =	vadd.s32 v8, v5  }
.LBB2_3:
0x44: {  	s18 =	sadd.s32 $0x10, s18  }
0x45: {  	vm1 =	veq.s32 v4, $0x80000000;
	v4 =	vand.u32 $0x7, v4;
	v6 =	vand.u32 $0x1FFFF, v6;
	s15 =	sadd.s32 $0x10, s15;
	p0 =	slt.u32 s18, $0x4E10  }
.Ltmp3:
0x46: {  	v5 =	vor.u32 v2, v5;
	v4 =	vsel vm1, $0xFFFFFFFF, v4;
	v7 =	vsel vm1, $0xFFFFFFFF, v6;
	(pc) =	sbr.rel @p0 .LBB2_3-.Ltmp3, $4  }
0x47: {  	v2 =	vshrl.u32 v4, $0x3;
	v6 =	vshll.u32 v7, $0x3;
	v4 =	vshll.u32 v4, $0x7;
	[tilespmem:s16], [sflag:$0x1] =	stream.indirect_vreg.gather [hbm4b:s2+s10], $0x1, v0, vm0, $0x4038;
	[tilespmem:$0x13880] =	vst v63  }
0x48: {  	v0 =	vor.u32 v3, v5;
	s16 =	smov.u32 s15;
	v8 =	vmul.u32 $0xC3800, v2;
	v2 =	vand.u32 $0x380, v4  }
0x49: {  	s17 =	sadd.s32 $0x10, s17;
	v9 =	vand.u32 $0xFFFFFC00, v6  }
0x4a: {  	v3 =	vand.u32 $0x7F, v7;
	v6 =	vshrl.u32 v1, $0x3;
	v5 =	vadd.s32 v8, v9;
	(ifvalue) =	ssetifvalue $0x7FFFFFFF;
	v4 =	vmovc v1;
	v1 =	vld.msk [tilespmem:s17+$0x0 ss:$0x1], $0xffff  }
.Ltmp4:
0x4b: {  	_ = 	snop;
	(pc) =	sbr.rel .LBB2_4-.Ltmp4, $1  }
0x4c: {  	_ =	sdelay $0x3  }
.LBB2_6:
0x4d: {  	_ =	sfence.sel $0x180000  }
0x4e: {  	s2 =	simm.s32 $0x2;
	[bflag:$0x0] =	sbarrier.arrive $0xFFFF  }
0x4f: {  	s30 =	simm.s32 $0x3;
	[sflag:s2] =	ssyncpa.u1 $0x1  }
0x50: {  	s31 =	simm.s32 $0x1;
	[sflag:s30] =	ssyncpa.u1 $0x1  }
0x51: {  	[sflag:s31] =	ssyncpa.u1 $0x1  }
0x52: {  	p0 =	sne.s32 s0, $0x0;
	_ =	strace $0x9000004A  }
0x53: {  	s0 =	sadd.s32 @!p0 $0x100000, s1;
	[bflag:$0x2] =	sbarrier.arrive $0xFFFF  }
0x54: {  	[sflag:s0] =	ssyncadd.tile.s32 @!p0 $0x1;
	_ =	shalt  }
.Lfunc_end2:
_tile_overlayer_lowered:
.L_overlay_start_2:
0x55: {  	(tag) =	ssettag $0x2  }
0x56: {  	s0 =	rddreg [dreg:$0x0];
	s2 =	stileid.u32  }
0x57: {  	s1 =	rddreg [dreg:$0x1];
	p0 =	sne.s32 s2, $0x0  }
0x58: {  	s3 =	rddreg [dreg:$0x2];
	[bflag:$0x3] =	sbarrier.arrive $0xFFFF;
	s2 =	simm.s32 @!p0 $0x1C01  }
0x59: {  	[timem:s3], [sflag:s2] =	dma.local @!p0 [hbm:s0], s1  }
0x5a: {  	s0 =	simm.s32 @!p0 $0x1  }
0x5b: {  	_ =	swait.ge @!p0 [sflag:s0], s1  }
0x5c: {  	s1 =	ssub.s32 @!p0 $0x0, s1;
	[sflag:s0] =	ssyncset.done @!p0 $0x0  }
0x5d: {  	[sflag:s0] =	ssyncadd.s32 @!p0 s1  }
0x5e: {  	[bflag:$0x3] =	sbarrier.arrive $0xFFFF  }
0x5f: {  	_ =	shalt  }

// kernel: scatter_offload_async_start
scs
__scs_entry_jumppad:
0x0: {  	(pc) =	sbr.rel $0x88, $3  }
0x1: {  	(tag) =	ssettag $0x0;
	lr =	simm.s32 $0x1  }
0x2: {  	[smem:$0x3FA0] =	sst lr;
	_ =	strace $0xD0000000  }
0x3: {  	_ = 	snop  }
0x4: {  	_ = 	snop  }
0x5: {  	_ = 	snop  }
0x6: {  	_ = 	snop  }
0x7: {  	_ = 	snop  }
__scs_overlays_trampoline_lowered:
0x8: {  	[smem:$0x3FAF] =	sst s0  }
0x9: {  	[smem:$0x3FB0] =	sst s1  }
0xa: {  	[smem:$0x3FB1] =	sst s2  }
0xb: {  	[smem:$0x3FB2] =	sst s3  }
0xc: {  	[smem:$0x3FB3] =	sst s4  }
0xd: {  	[smem:$0x3FB4] =	sst s5  }
0xe: {  	[smem:$0x3FB5] =	sst s6  }
0xf: {  	[smem:$0x3FB6] =	sst s7  }
0x10: {  	[smem:$0x3FB7] =	sst s8  }
0x11: {  	[smem:$0x3FB8] =	sst s9;
	s0 =	simm.s32 @!p0 $0x0  }
0x12: {  	s1 =	sld [smem:$0x3F9E];
	s0 =	simm.s32 @p0 $0x1  }
0x13: {  	[smem:$0x3FB9] =	sst s0;
	s0 =	simm.s32 @!p1 $0x0  }
0x14: {  	s2 =	sld [smem:$0x3F9D];
	s0 =	simm.s32 @p1 $0x1  }
0x15: {  	[smem:$0x3FBA] =	sst s0;
	s0 =	simm.s32 @!p2 $0x0  }
0x16: {  	s3 =	sld [smem:$0x3FDB];
	s0 =	simm.s32 @p2 $0x1  }
0x17: {  	s4 =	simm.s32 $0x1BF5;
	[smem:$0x3FBC] =	sst s0  }
0x18: {  	s0 =	sld [smem:$0x3F9F];
	_ =	swait.ge [sflag:s4], $0x0  }
0x19: {  	s7 =	sld [smem:$0x3FA0]  }
0x1a: {  	s8 =	sadd.s32 $0xFFFFE003, lr  }
0x1b: {  	s9 =	sadd.s32 $0xFFFFFEF7, lr;
	s5 =	simm.s32 $0xFFFFFFFF;
	p2 =	slt.u32 s8, $0xFFFFF086  }
0x1c: {  	p1 =	slt.u32 s9, $0xF7A;
	s5 =	simm.s32 @!p2 $0x0  }
0x1d: {  	s5 =	simm.s32 @p1 $0x1;
	p0 =	seq.s32 s7, s2  }
0x1e: {  	s7 =	smul.u32 @!p0 $0xF7A, s2;
	p2 =	seq.s32 @!p0 s5, $0x0  }
0x1f: {  	s9 =	smul.u32 $0xF7A, s1;
	s8 =	simm.s32 @!p0 $0x1BF5;
	p2 =	por !p2, p0  }
0x20: {  	[sflag:s8] =	ssyncset.s32 @!p0 $0xFFFFF086;
	s6 =	sadd.s32 @!p0 s3, s7;
	s7 =	simm.s32 @!p0 $0x108  }
0x21: {  	s3 =	sadd.s32 s3, s9;
	s6 =	sadd.s32 @!p0 $0x88, s6;
	s7 =	simm.s32 @p2 $0x1082  }
0x22: {  	[simem:s7], [sflag:s8] =	dma.local @!p0 [hbm:s6], $0xF7A  }
0x23: {  	s9 =	sor.u32 $0xD0000000, s2;
	s6 =	simm.s32 $0x108;
	_ =	swait.ge @!p0 [sflag:s8], $0x0  }
0x24: {  	s3 =	sadd.s32 $0x88, s3;
	s6 =	simm.s32 @!p1 $0x1082;
	[sflag:s4] =	ssyncset.s32 $0xFFFFF086  }
0x25: {  	[simem:s6], [sflag:s4] =	dma.local [hbm:s3], $0xF7A  }
0x26: {  	[smem:$0x3FA0] =	sst s1;
	(tag) =	ssettag s2;
	_ =	strace s9  }
0x27: {  	s1 =	sld [smem:$0x3FB0]  }
0x28: {  	s2 =	sld [smem:$0x3FB1]  }
0x29: {  	s4 =	sld [smem:$0x3FB3]  }
0x2a: {  	p0 =	seq.s32 s5, $0x0;
	s5 =	sld [smem:$0x3FB4]  }
0x2b: {  	s6 =	sld [smem:$0x3FB5]  }
0x2c: {  	s7 =	sld [smem:$0x3FB6]  }
0x2d: {  	s3 =	simm.s32 $0x108;
	s8 =	sld [smem:$0x3FB7]  }
0x2e: {  	s3 =	simm.s32 @!p0 $0x1082;
	s9 =	sld [smem:$0x3FB8]  }
0x2f: {  	lr =	sadd.s32 s0, s3;
	s0 =	sld [smem:$0x3FAF]  }
0x30: {  	s3 =	sld [smem:$0x3FB2]  }
0x31: {  	[smem:$0x3FBB] =	sst s10  }
0x32: {  	s10 =	sld [smem:$0x3FB9];
	_ =	sdelay $0x3  }
0x33: {  	p0 =	seq.s32 s10, $0x1;
	s10 =	sld [smem:$0x3FBB];
	_ =	sdelay $0x3  }
0x34: {  	[smem:$0x3FBB] =	sst s10  }
0x35: {  	s10 =	sld [smem:$0x3FBA];
	_ =	sdelay $0x3  }
0x36: {  	p1 =	seq.s32 s10, $0x1;
	s10 =	sld [smem:$0x3FBB];
	_ =	sdelay $0x3  }
0x37: {  	[smem:$0x3FBB] =	sst s10  }
0x38: {  	s10 =	sld [smem:$0x3FBC]  }
0x39: {  	_ = 	snop;
	(pc) =	sbr.ind lr, $3  }
0x3a: {  	_ = 	snop  }
0x3b: {  	_ = 	snop  }
0x3c: {  	p2 =	seq.s32 s10, $0x1;
	s10 =	sld [smem:$0x3FBB]  }
0x3d: {  	_ =	shalt  }
0x3e: {  	_ =	shalt  }
0x3f: {  	_ =	shalt  }
0x40: {  	_ =	shalt  }
0x41: {  	_ =	shalt  }
0x42: {  	_ =	shalt  }
0x43: {  	_ =	shalt  }
0x44: {  	_ =	shalt  }
0x45: {  	_ =	shalt  }
0x46: {  	_ =	shalt  }
0x47: {  	_ =	shalt  }
0x48: {  	_ =	shalt  }
0x49: {  	_ =	shalt  }
0x4a: {  	_ =	shalt  }
0x4b: {  	_ =	shalt  }
0x4c: {  	_ =	shalt  }
0x4d: {  	_ =	shalt  }
0x4e: {  	_ =	shalt  }
0x4f: {  	_ =	shalt  }
0x50: {  	_ =	shalt  }
0x51: {  	_ =	shalt  }
0x52: {  	_ =	shalt  }
0x53: {  	_ =	shalt  }
0x54: {  	_ =	shalt  }
0x55: {  	_ =	shalt  }
0x56: {  	_ =	shalt  }
0x57: {  	_ =	shalt  }
0x58: {  	_ =	shalt  }
0x59: {  	_ =	shalt  }
0x5a: {  	_ =	shalt  }
0x5b: {  	_ =	shalt  }
0x5c: {  	_ =	shalt  }
0x5d: {  	_ =	shalt  }
0x5e: {  	_ =	shalt  }
0x5f: {  	_ =	shalt  }
0x60: {  	_ =	shalt  }
0x61: {  	_ =	shalt  }
0x62: {  	_ =	shalt  }
0x63: {  	_ =	shalt  }
0x64: {  	_ =	shalt  }
0x65: {  	_ =	shalt  }
0x66: {  	_ =	shalt  }
0x67: {  	_ =	shalt  }
0x68: {  	_ =	shalt  }
0x69: {  	_ =	shalt  }
0x6a: {  	_ =	shalt  }
0x6b: {  	_ =	shalt  }
0x6c: {  	_ =	shalt  }
0x6d: {  	_ =	shalt  }
0x6e: {  	_ =	shalt  }
0x6f: {  	_ =	shalt  }
0x70: {  	_ =	shalt  }
0x71: {  	_ =	shalt  }
0x72: {  	_ =	shalt  }
0x73: {  	_ =	shalt  }
0x74: {  	_ =	shalt  }
0x75: {  	_ =	shalt  }
0x76: {  	_ =	shalt  }
0x77: {  	_ =	shalt  }
0x78: {  	_ =	shalt  }
0x79: {  	_ =	shalt  }
0x7a: {  	_ =	shalt  }
0x7b: {  	_ =	shalt  }
0x7c: {  	_ =	shalt  }
0x7d: {  	_ =	shalt  }
0x7e: {  	_ =	shalt  }
0x7f: {  	_ =	shalt  }
0x80: {  	_ =	shalt  }
0x81: {  	_ =	shalt  }
0x82: {  	_ =	shalt  }
0x83: {  	_ =	shalt  }
0x84: {  	_ =	shalt  }
0x85: {  	_ =	shalt  }
0x86: {  	_ =	shalt  }
0x87: {  	_ =	shalt  }
.Lfunc_end0:
.L_simem_size_0:
called_computation_lowered:
.L_overlay_start_0:
0x88: {  	s0 =	sld [smem:$0x3FD9]  }
0x89: {  	s1 =	sld [smem:$0x3FFE];
	_ =	sdelay $0x3  }
0x8a: {  	s0 =	sadd.s32 s1, s0  }
0x8b: {  	[smem:$0x3FC7] =	sst s0  }
0x8c: {  	_ = 	snop  }
0x8d: {  	s0 =	sld [smem:$0x3FD0];
	(tm) =	ssettm $0x1  }
0x8e: {  	s16 =	sld [smem:$0x3FFB];
	_ =	sdelay $0x3  }
0x8f: {  	_ =	strace s16  }
0x90: {  	s1 =	sld [smem:$0x3FFC];
	_ =	sdelay $0x3  }
0x91: {  	_ =	strace s1  }
0x92: {  	s1 =	sld [smem:$0x3FFD];
	_ =	sdelay $0x3  }
0x93: {  	_ =	strace s1  }
0x94: {  	_ =	strace $0x8FFFFFFF  }
0x95: {  	s17 =	sld [smem:$0x3FDB];
	_ =	sdelay $0x1  }
0x96: {  	s2 =	simm.s32 $_scs_section_size  }
0x97: {  	s3 =	simm.s32 $_size__tile_overlayer_lowered;
	s4 =	simm.s32 $_tile_overlayer_lowered  }
0x98: {  	s20 =	simm.s32 $0x1BFF;
	s19 =	sshll.u32 s4, $0x1;
	s1 =	sadd.s32 s2, s17  }
0x99: {  	s5 =	simm.s32 $0x0;
	s18 =	sshll.u32 s3, $0x1;
	s3 =	sadd.s32 s19, s1  }
0x9a: {  	[timem:s5], [sflag:s20] =	dma.local [hbm:s3], s18  }
0x9b: {  	_ =	swait.ge [sflag:s20], s18  }
0x9c: {  	s2 =	ssub.s32 $0x0, s18;
	[sflag:s20] =	ssyncset.done $0x0  }
0x9d: {  	[sflag:s20] =	ssyncadd.s32 s2;
	_ =	sdelay $0x1  }
0x9e: {  	s21 =	simm.s32 $0x1B8B  }
0x9f: {  	_ =	swait.ge [sflag:s21], $0x1  }
0xa0: {  	[sflag:s21] =	ssyncset.done $0x0  }
0xa1: {  	s23 =	simm.s32 $0x1B8E;
	s22 =	sld [smem:$0x3FFE];
	[sflag:s21] =	ssyncadd.s32 $0xFFFFFFFF  }
0xa2: {  	s24 =	simm.s32 $execute0_lowered;
	[smem:$0x3FD2] =	sst s23  }
0xa3: {  	s3 =	sshll.u32 s24, $0x1;
	_ =	strace $0x80000046;
	[dreg:$0x1] =	wrdreg $0xFFFFFFFF  }
0xa4: {  	s25 =	simm.s32 $_size_execute0_lowered;
	s1 =	sadd.s32 s1, s3;
	[dreg:$0x0] =	wrdreg $0x0  }
0xa5: {  	s3 =	sshll.u32 s25, $0x1;
	[dreg:$0x2] =	wrdreg s1  }
0xa6: {  	[dreg:$0x3] =	wrdreg s3  }
0xa7: {  	[dreg:$0x4] =	wrdreg $0xC0  }
0xa8: {  	_ =	task [dreg:s5], $0x5FFFF  }
0xa9: {  	[dreg:$0x1] =	wrdreg $0xFFFFFFFF  }
0xaa: {  	[dreg:$0x0] =	wrdreg $0x60  }
0xab: {  	[dreg:$0x2] =	wrdreg s0  }
0xac: {  	[dreg:$0x3] =	wrdreg s22  }
0xad: {  	[dreg:$0x4] =	wrdreg $0x9  }
0xae: {  	_ =	task.clear_ibuf [dreg:s5], $0x5FFFF;
	_ =	strace $0x90000046  }
0xaf: {  	s26 =	simm.s32 $0x9;
	_ =	strace $0x80000048  }
0xb0: {  	_ =	swait.ge [sflag:s26], $0x1  }
0xb1: {  	[sflag:s26] =	ssyncadd.s32 $0xFFFFFFFF  }
0xb2: {  	_ =	strace $0x90000048  }
0xb3: {  	_ =	sfence  }
0xb4: {  	s28 =	sld [smem:$0x0];
	_ =	sdelay $0x1  }
0xb5: {  	s29 =	srdreg.scid  }
0xb6: {  	s30 =	sshll.u32 s29, $0xD;
	s31 =	sshrl.u32 s29, $0x2  }
0xb7: {  	s2 =	sand.u32 $0x4000, s30;
	s1 =	sand.u32 $0x1, s29;
	s0 =	sadd.s32 s31, s28  }
0xb8: {  	s1 =	sor.u32 s2, s1;
	s0 =	sshll.u32 s0, $0x11  }
0xb9: {  	s0 =	sor.u32 s0, s1  }
0xba: {  	s0 =	sadd.s32 $0x8F2B, s0  }
0xbb: {  	[sflag:s0] =	ssyncadd.remote.s32 $0x1  }
0xbc: {  	_ =	sfence.sel $0xFFFF  }
0xbd: {  	[dreg:$0x0] =	wrdreg $0xFFFFFFFF;
	(pc) =	sbr.abs _section_cstart, $3  }
0xbe: {  	[dreg:$0x1] =	wrdreg $0xFFFFFFFF  }
0xbf: {  	_ =	task.clear_ibuf [dreg:s5], $0x2FFFF;
	_ =	strace $0x9FFFFFFF  }
0xc0: {  	(tm) =	ssettm $0x7FFFFFFF  }
0xc1: {  	_ =	shalt  }
tec
execute0_lowered:
.L_overlay_start_1:
0x0: {  	(tag) =	ssettag $0x1  }
0x1: {  	s1 =	rddreg [dreg:$0x0]  }
0x2: {  	s7 =	rddreg [dreg:$0x1]  }
0x3: {  	s0 =	rddreg [dreg:$0x2]  }
0x4: {  	s3 =	stileid.u32;
	_ =	strace $0x80000047;
	s4 =	simm.s32 $0x3E  }
0x5: {  	p0 =	sne.s32 s3, $0x0;
	[sflag:s4] =	ssyncpa.u1 $0x0;
	s29 =	smul.u32 $0x6, s3  }
0x6: {  	s30 =	smin.u32 s3, $0x4;
	s2 =	simm.s32 @!p0 $0x1C3E;
	s5 =	simm.s32 @!p0 $0x0  }
0x7: {  	[spmem:s5], [sflag:s2] =	dma.local @!p0 [hbm:s1], $0x18700  }
0x8: {  	s2 =	sadd.s32 s30, s29  }
0x9: {  	p1 =	slt.u32 s3, $0x4;
	s3 =	simm.s32 $0xDAC0;
	s2 =	smul.u32 $0x1F40, s2  }
0xa: {  	s3 =	simm.s32 @!p1 $0xBB80  }
0xb: {  	s3 =	sadd.s32 s3, s2  }
0xc: {  	s3 =	smin.u32 s3, $0xC3500  }
0xd: {  	s8 =	ssub.s32 s3, s2  }
0xe: {  	p1 =	sgt.s32 s8, $0x0  }
0xf: {  	s8 =	simm.s32 @!p1 $0x0  }
0x10: {  	s5 =	simm.s32 @!p0 $0x3E;
	s31 =	smulhi.u32 $0x10624DD3, s8  }
0x11: {  	_ =	swait.ge @!p0 [sflag:s5], $0x18700  }
0x12: {  	s6 =	simm.s32 $0x2;
	[sflag:s5] =	ssyncset.done @!p0 $0x0;
	s9 =	sshrl.u32 s31, $0x9  }
0x13: {  	s11 =	simm.s32 $0x0;
	[sflag:s5] =	ssyncadd.s32 @!p0 $0xFFFE7900;
	s10 =	smul.u32 $0x1F40, s9  }
.Ltmp0:
0x14: {  	s5 =	sadd.s32 $0x31400, s7;
	[bflag:$0x0] =	sbarrier.arrive $0xFFFF;
	(pc) =	sbr.rel .LBB2_1-.Ltmp0, $4  }
0x15: {  	s7 =	sadd.s32 $0x49C00, s7;
	[sflag:s4] =	ssyncpa.u1 $0x1;
	s4 =	simm.s32 $0x1  }
0x16: {  	[sflag:s4] =	ssyncpa.u1 $0x0;
	p1 =	sne.s32 s8, s10;
	s8 =	simm.s32 $0x1  }
0x17: {  	(ifvalue) =	ssetifvalue $0xC3800;
	[sflag:s6] =	ssyncpa.u1 $0x0;
	s8 =	simm.s32 @!p1 $0x0  }
0x18: {  	vm0 =	vmmov $0xffff;
	s10 =	smov.u32 s2;
	s8 =	sadd.s32 s8, s9;
	s9 =	simm.s32 $0x0  }
.LBB2_5:
0x19: {  	p2 =	sne.s32 s11, s8  }
.Ltmp1:
0x1a: {  	_ = 	snop;
	(pc) =	sbr.rel @!p2 .LBB2_6-.Ltmp1, $4  }
0x1b: {  	_ = 	snop  }
0x1c: {  	s12 =	sadd.s32 $0x1F40, s10  }
0x1d: {  	s10 =	smov.u32 s2;
	s13 =	sadd.s32 $0x1, s11;
	p1 =	slt.s32 s12, s3  }
0x1e: {  	s11 =	smov.u32 s13;
	s10 =	smov.u32 @p1 s12  }
.LBB2_1:
0x1f: {  	p1 =	sge.u32 s11, s8  }
0x20: {  	s12 =	sxor.u32 @!p1 $0xFFFFFFFF, s11  }
0x21: {  	s12 =	sand.u32 @!p1 $0x1, s12  }
0x22: {  	s12 =	smul.u32 @!p1 $0x1F40, s12  }
0x23: {  	s13 =	sshrl.u32 @!p1 s10, $0x3  }
0x24: {  	s16 =	sand.u32 @!p1 $0x7, s10;
	s14 =	sadd.s32 @!p1 s5, s13;
	s15 =	sadd.s32 @!p1 $0xC380, s12  }
0x25: {  	[tilespmem:s15], [sflag:$0x2] =	stream.linear.gather @!p1 [hbm4b:s14+s16], $0x1F40, $0x38;
	[tilespmem:$0x14080] =	vst v63  }
0x26: {  	s13 =	sadd.s32 @!p1 s7, s13;
	s12 =	sadd.s32 @!p1 $0x10200, s12  }
0x27: {  	[tilespmem:s12], [sflag:$0x2] =	stream.linear.gather @!p1 [hbm4b:s13+s16], $0x1F40, $0x38;
	[tilespmem:$0x14080] =	vst v63  }
0x28: {  	p1 =	seq.s32 s11, $0x0  }
.Ltmp2:
0x29: {  	_ = 	snop;
	(pc) =	sbr.rel @p1 .LBB2_5-.Ltmp2, $1  }
0x2a: {  	_ =	sdelay $0x3  }
0x2b: {  	s12 =	sand.u32 $0x1, s11  }
0x2c: {  	_ =	swait.ge [sflag:s6], $0x3E80;
	p1 =	seq.s32 s12, $0x1;
	s12 =	simm.s32 $0x1F40  }
0x2d: {  	[sflag:s6] =	ssyncset.done $0x0;
	s12 =	simm.s32 @!p1 $0x0  }
0x2e: {  	[sflag:s6] =	ssyncadd.s32 $0xFFFFC180;
	s14 =	sadd.s32 $0xC380, s12  }
0x2f: {  	v0 =	vld.msk [tilespmem:s14+$0x0 ss:$0x1], $0xffff;
	_ =	sdelay $0x4  }
0x30: {  	v0 =	vmin.u32 v0, $0xC3800;
	_ =	sdelay $0x3  }
0x31: {  	s13 =	simm.s32 $0x0;
	s12 =	sadd.s32 $0x10200, s12;
	s14 =	sadd.s32 $0x10, s14  }
0x32: {  	[spmem:s9] =	stream.indirect_vreg.scatter.add.s32 [tilespmem:s12], [sflag:$0x1], $0x1, v0, vm0, $0x4038;
	[tilespmem:$0x14080] =	vst v63  }
.LBB2_3:
0x33: {  	v0 =	vld.msk [tilespmem:s14+$0x0 ss:$0x1], $0xffff;
	s13 =	sadd.s32 $0x10, s13  }
0x34: {  	p1 =	slt.u32 s13, $0x1F30;
	_ =	sdelay $0x4  }
0x35: {  	v0 =	vmin.u32 v0, $0xC3800  }
.Ltmp3:
0x36: {  	(pc) =	sbr.rel @p1 .LBB2_3-.Ltmp3, $3  }
0x37: {  	_ =	sdelay $0x1  }
0x38: {  	s14 =	sadd.s32 $0x10, s14;
	s12 =	sadd.s32 $0x10, s12  }
0x39: {  	[spmem:s9] =	stream.indirect_vreg.scatter.add.s32 [tilespmem:s12], [sflag:$0x1], $0x1, v0, vm0, $0x4038;
	[tilespmem:$0x14080] =	vst v63  }
.Ltmp4:
0x3a: {  	(pc) =	sbr.rel .LBB2_5-.Ltmp4, $4  }
0x3b: {  	_ = 	snop  }
0x3c: {  	_ =	swait.ge [sflag:s4], $0x1F40  }
0x3d: {  	[sflag:s4] =	ssyncset.done $0x0  }
0x3e: {  	[sflag:s4] =	ssyncadd.s32 $0xFFFFE0C0  }
.LBB2_6:
0x3f: {  	_ =	sfence.sel $0x180000  }
0x40: {  	s2 =	simm.s32 $0x2;
	[bflag:$0x0] =	sbarrier.arrive $0xFFFF  }
0x41: {  	s30 =	simm.s32 $0x1;
	[sflag:s2] =	ssyncpa.u1 $0x1  }
0x42: {  	[sflag:s30] =	ssyncpa.u1 $0x1  }
0x43: {  	_ =	sfence.stream.spmem  }
0x44: {  	s31 =	simm.s32 $0x3D;
	[bflag:$0x0] =	sbarrier.arrive $0xFFFF  }
0x45: {  	s2 =	simm.s32 @p0 $0x3D;
	[sflag:s31] =	ssyncpa.u1 $0x0  }
0x46: {  	[sflag:s2] =	ssyncpa.u1 @p0 $0x1  }
0x47: {  	[bflag:$0x0] =	sbarrier.arrive @p0 $0xFFFF  }
0x48: {  	_ =	strace @p0 $0x90000047  }
0x49: {  	s3 =	simm.s32 @!p0 $0x1C3D;
	s2 =	simm.s32 @!p0 $0x0;
	[bflag:$0x2] =	sbarrier.arrive @p0 $0xFFFF  }
0x4a: {  	[hbm:s1], [sflag:s3] =	dma.local @!p0 [spmem:s2], $0x18700  }
0x4b: {  	s1 =	simm.s32 @!p0 $0x3D  }
0x4c: {  	_ =	swait.ge @!p0 [sflag:s1], $0x18700  }
0x4d: {  	[sflag:s1] =	ssyncset.done @!p0 $0x0  }
0x4e: {  	[sflag:s1] =	ssyncadd.s32 @!p0 $0xFFFE7900  }
0x4f: {  	[sflag:s1] =	ssyncpa.u1 @!p0 $0x1  }
0x50: {  	[bflag:$0x0] =	sbarrier.arrive @!p0 $0xFFFF  }
0x51: {  	_ =	strace @!p0 $0x90000047  }
0x52: {  	s0 =	sadd.s32 @!p0 $0x100000, s0;
	[bflag:$0x2] =	sbarrier.arrive @!p0 $0xFFFF  }
0x53: {  	[sflag:s0] =	ssyncadd.tile.s32 @!p0 $0x1;
	_ =	shalt  }
.Lfunc_end2:
_tile_overlayer_lowered:
.L_overlay_start_2:
0x54: {  	(tag) =	ssettag $0x2  }
0x55: {  	s0 =	rddreg [dreg:$0x0];
	s2 =	stileid.u32  }
0x56: {  	s1 =	rddreg [dreg:$0x1];
	p0 =	sne.s32 s2, $0x0  }
0x57: {  	s3 =	rddreg [dreg:$0x2];
	[bflag:$0x3] =	sbarrier.arrive $0xFFFF;
	s2 =	simm.s32 @!p0 $0x1C01  }
0x58: {  	[timem:s3], [sflag:s2] =	dma.local @!p0 [hbm:s0], s1  }
0x59: {  	s0 =	simm.s32 @!p0 $0x1  }
0x5a: {  	_ =	swait.ge @!p0 [sflag:s0], s1  }
0x5b: {  	s1 =	ssub.s32 @!p0 $0x0, s1;
	[sflag:s0] =	ssyncset.done @!p0 $0x0  }
0x5c: {  	[sflag:s0] =	ssyncadd.s32 @!p0 s1  }
0x5d: {  	[bflag:$0x3] =	sbarrier.arrive $0xFFFF  }
0x5e: {  	_ =	shalt  }

</sc_bundles>
